<compile_context>
chip_gen: v7x
topology: tpu7x:2x2x1
jax: 0.10.2.dev20260603
libtpu: 0.0.44.dev20260713+nightly
codegen_flags: <defaults>
</compile_context>

<pallas_src>
import jax
import jax.numpy as jnp
from jax import lax
from jax.experimental import pallas as pl
from jax.experimental.pallas import tpu as pltpu


def _aux_kernel(ct_ref, locd_ref, loct_ref, sd_ref, sg_ref,
                npv_ref, part_ref, acc_s):
    i = pl.program_id(0)
    num = pl.num_programs(0)
    t = ct_ref[0]
    posf = (t > 0).astype(jnp.float32)
    npv_ref[...] = jnp.full(npv_ref.shape, jnp.sum(posf), jnp.float32)
    dd = locd_ref[0] - loct_ref[0]
    ad = jnp.abs(dd)
    sl1 = jnp.where(ad < 1.0, 0.5 * dd * dd, ad - 0.5)
    sl1_sum = jnp.sum(sl1 * posf)

    @pl.when(i == 0)
    def _init():
        sdv = sd_ref[...]
        sgv = sg_ref[...]
        acc_s[0] = 0.0
        acc_s[1] = jnp.sum(sdv * sgv)
        acc_s[2] = jnp.sum(sdv) + jnp.sum(sgv)

    acc_s[0] = acc_s[0] + sl1_sum

    @pl.when(i == num - 1)
    def _emit():
        part_ref[0] = acc_s[0]
        part_ref[1] = acc_s[1]
        part_ref[2] = acc_s[2]
        part_ref[3] = 0.0


def _conf_kernel(conf_ref, ct_ref, npv_ref, part_ref, out_ref, m_s, acc_s):
    i = pl.program_id(0)
    num = pl.num_programs(0)
    x = conf_ref[0]
    t = ct_ref[0]
    nc, d = x.shape

    s = jnp.sum(jnp.exp(x), axis=0, keepdims=True)
    lse = jnp.log(s)
    cls = lax.broadcasted_iota(jnp.int32, (nc, d), 0)
    g = jnp.sum(jnp.where(cls == t, x, 0.0), axis=0, keepdims=True)
    ce = lse - g
    pos = t > 0
    m = jnp.maximum(jnp.where(pos, 0.0, ce), 0.0)
    m_s[pl.ds(i, 1)] = lax.bitcast_convert_type(m, jnp.int32)[None]
    posce = jnp.sum(jnp.where(pos, ce, 0.0))

    @pl.when(i == 0)
    def _init():
        acc_s[0] = 0.0

    acc_s[0] = acc_s[0] + posce

    @pl.when(i == num - 1)
    def _final():
        npos_v = npv_ref[:, :, 0:1]
        k = jnp.minimum(3 * npos_v.astype(jnp.int32), d - 1)

        def body(_, carry):
            lo, hi = carry
            mid = lo + (hi - lo) // 2
            cnt = jnp.sum((m_s[...] > mid).astype(jnp.int32), axis=2,
                          keepdims=True)
            shrink = cnt < k
            return (jnp.where(shrink, lo, mid + 1),
                    jnp.where(shrink, mid, hi))

        lo0 = jnp.zeros((num, 1, 1), jnp.int32)
        hi0 = jnp.full((num, 1, 1), jnp.int32(0x7F800000))
        lo, _ = lax.fori_loop(0, 31, body, (lo0, hi0))
        bits = m_s[...]
        gt = bits > lo
        cnt_gt = jnp.sum(gt.astype(jnp.int32), axis=2, keepdims=True)
        sum_gt = jnp.sum(
            jnp.where(gt, lax.bitcast_convert_type(bits, jnp.float32), 0.0),
            axis=2, keepdims=True)
        tf = jnp.where(k > 0, lax.bitcast_convert_type(lo, jnp.float32), 0.0)
        topk = sum_gt + (k - cnt_gt).astype(jnp.float32) * tf
        topk_total = jnp.sum(topk)
        n_tot = jnp.sum(npos_v)
        out_ref[0] = part_ref[0] / n_tot
        out_ref[1] = (acc_s[0] + topk_total) / n_tot
        out_ref[2] = 1.0 - 2.0 * part_ref[1] / (part_ref[2] + 1e-5)


def kernel(loc_data, conf_data, priors, seg_data, loc_t, conf_t, segs):
    num, p, a, nc = conf_data.shape
    d = p * a
    seg_n = segs.shape[1]
    conf_tr = jnp.swapaxes(conf_data.reshape(num, d, nc), 1, 2)
    locd_tr = jnp.swapaxes(loc_data.reshape(num, d, 4), 1, 2)
    loct_tr = jnp.swapaxes(loc_t.reshape(num, d, 4), 1, 2)
    ct = conf_t.reshape(num, 1, d).astype(jnp.int32)
    sd = seg_data.reshape(num * seg_n // 128, 128)
    sg = segs.reshape(num * seg_n // 128, 128)

    npv, part = pl.pallas_call(
        _aux_kernel,
        grid=(num,),
        in_specs=[
            pl.BlockSpec((1, 1, d), lambda i: (i, 0, 0)),
            pl.BlockSpec((1, 4, d), lambda i: (i, 0, 0)),
            pl.BlockSpec((1, 4, d), lambda i: (i, 0, 0)),
            pl.BlockSpec((num * seg_n // 128, 128), lambda i: (0, 0)),
            pl.BlockSpec((num * seg_n // 128, 128), lambda i: (0, 0)),
        ],
        out_specs=[
            pl.BlockSpec((1, 1, 128), lambda i: (i, 0, 0)),
            pl.BlockSpec(memory_space=pltpu.SMEM),
        ],
        out_shape=[
            jax.ShapeDtypeStruct((num, 1, 128), jnp.float32),
            jax.ShapeDtypeStruct((4,), jnp.float32),
        ],
        scratch_shapes=[pltpu.SMEM((4,), jnp.float32)],
    )(ct, locd_tr, loct_tr, sd, sg)

    out = pl.pallas_call(
        _conf_kernel,
        grid=(num,),
        in_specs=[
            pl.BlockSpec((1, nc, d), lambda i: (i, 0, 0)),
            pl.BlockSpec((1, 1, d), lambda i: (i, 0, 0)),
            pl.BlockSpec((num, 1, 128), lambda i: (0, 0, 0)),
            pl.BlockSpec(memory_space=pltpu.SMEM),
        ],
        out_specs=pl.BlockSpec(memory_space=pltpu.SMEM),
        out_shape=jax.ShapeDtypeStruct((4,), jnp.float32),
        scratch_shapes=[
            pltpu.VMEM((num, 1, d), jnp.int32),
            pltpu.SMEM((4,), jnp.float32),
        ],
    )(conf_tr, ct, npv, part)
    return (out[0], out[1], out[2])

# --- scband reference (transcript-rebuilt; emitter-appended) ---
"""Pipeline reference for scband-multi-box-loss-22144851378440 (READ-ONLY COPY).

The authoritative reference and input builder live on the scoring server;
editing this copy changes nothing except your own understanding.
"""

import jax, jax.numpy as jnp
import numpy as np

NUM_CLASSES = 21
NEGPOS_RATIO = 3

def setup_inputs(seed: int = 0):
    key = jax.random.key(seed)
    ks = jax.random.split(key, 8)
    num, P, nc = 32, 8732, NUM_CLASSES
    loc_data = jax.random.normal(ks[0], (num, P, 4, 4), dtype=jnp.float32)
    conf_data = jax.random.normal(ks[1], (num, P, 4, nc), dtype=jnp.float32)
    priors = jax.random.uniform(ks[2], (P, 4), dtype=jnp.float32)
    seg_data = jax.random.uniform(ks[3], (num * 10000, 1), dtype=jnp.float32)
    loc_t = jax.random.normal(ks[4], (num, P, 4, 4), dtype=jnp.float32)
    conf_t = jax.random.randint(ks[5], (num, P, 4), 0, nc)
    segs = jax.random.uniform(ks[6], (num, 10000), dtype=jnp.float32)
    return {"loc_data": loc_data, "conf_data": conf_data, "priors": priors,
            "seg_data": seg_data, "loc_t": loc_t, "conf_t": conf_t, "segs": segs}

def _log_sum_exp(x):
    # matches the common SSD log_sum_exp helper: returns [N, 1]
    return jax.nn.logsumexp(x, axis=1, keepdims=True)

def reference(loc_data, conf_data, priors, seg_data, loc_t, conf_t, segs):
    num = loc_data.shape[0]
    num_classes = NUM_CLASSES
    # (matching step is precomputed: loc_t / conf_t supplied as inputs, as in the
    #  original they are constructed with requires_grad=False)
    pos = conf_t > 0  # [num, P, 4]

    # localization loss: smooth L1 over positive anchors, sum reduction
    diff = loc_data - loc_t
    abs_diff = jnp.abs(diff)
    sl1 = jnp.where(abs_diff < 1.0, 0.5 * diff * diff, abs_diff - 0.5)
    loss_l = jnp.sum(sl1 * pos[..., None].astype(sl1.dtype))

    # hard negative mining
    batch_conf = conf_data.reshape(-1, num_classes)
    gathered = jnp.take_along_axis(batch_conf, conf_t.reshape(-1, 1).astype(jnp.int32), axis=1)
    loss_c = _log_sum_exp(batch_conf) - gathered  # [num*P*4, 1]
    loss_c = jnp.where(pos.reshape(-1, 1), 0.0, loss_c)
    loss_c = loss_c.reshape(num, -1)
    loss_idx = jnp.argsort(-loss_c, axis=1)   # descending sort
    idx_rank = jnp.argsort(loss_idx, axis=1)
    pos_v = pos.reshape(num, -1)
    num_pos = jnp.sum(pos_v.astype(jnp.int32), axis=1, keepdims=True)
    num_neg = jnp.minimum(NEGPOS_RATIO * num_pos, pos_v.shape[1] - 1)
    neg = idx_rank < num_neg

    # confidence loss over positives + mined negatives, sum reduction
    conf_data_v = conf_data.reshape(num, -1, num_classes)
    conf_t_v = conf_t.reshape(num, -1)
    sel = jnp.logical_or(pos_v, neg)
    ce = jax.nn.logsumexp(conf_data_v, axis=-1) - jnp.take_along_axis(
        conf_data_v, conf_t_v[..., None].astype(jnp.int32), axis=-1)[..., 0]
    loss_c_final = jnp.sum(ce * sel.astype(ce.dtype))

    N = jnp.sum(num_pos).astype(jnp.float32)
    loss_l = loss_l / N
    loss_c_final = loss_c_final / N

    # dice segmentation loss
    eps = 1e-05
    seg_gt = segs.reshape(-1, 1)
    intersection = jnp.sum(seg_data * seg_gt)
    union = jnp.sum(seg_data + seg_gt) + eps
    loss_s = 1.0 - 2.0 * intersection / union
    return (loss_l, loss_c_final, loss_s)

if __name__ == "__main__":
    import jax
    _d = setup_inputs()
    print(jax.jit(kernel)(*tuple(_d.values())))

</pallas_src>

<mosaic_0001>
module attributes {stable_mosaic.version = 14 : i64} {
  func.func @_aux_kernel(%arg0: i32, %arg1: memref<1x1x34928xi32, #tpu.memory_space<vmem>>, %arg2: memref<1x4x34928xf32, #tpu.memory_space<vmem>>, %arg3: memref<1x4x34928xf32, #tpu.memory_space<vmem>>, %arg4: memref<2500x128xf32, #tpu.memory_space<vmem>>, %arg5: memref<2500x128xf32, #tpu.memory_space<vmem>>, %arg6: memref<1x1x128xf32, #tpu.memory_space<vmem>>, %arg7: memref<4xf32, #tpu.memory_space<smem>>, %arg8: memref<4xf32, #tpu.memory_space<smem>>) attributes {dimension_semantics = [#tpu.dimension_semantics<arbitrary>], iteration_bounds = array<i64: 32>, scalar_prefetch = 0 : i64, scratch_operands = 1 : i64, tpu.core_type = #tpu.core_type<tc>, window_params = [{transform_indices = @transform_0, window_bounds = array<i64: 1, 1, 34928>}, {transform_indices = @transform_1, window_bounds = array<i64: 1, 4, 34928>}, {transform_indices = @transform_2, window_bounds = array<i64: 1, 4, 34928>}, {pipeline_mode = #tpu.pipeline_mode<synchronous>, transform_indices = @transform_3, window_bounds = array<i64: 2500, 128>}, {pipeline_mode = #tpu.pipeline_mode<synchronous>, transform_indices = @transform_4, window_bounds = array<i64: 2500, 128>}, {transform_indices = @transform_5, window_bounds = array<i64: 1, 1, 128>}, {transform_indices = @transform_6, window_bounds = array<i64: 4>}]} {
    %get3A = arith.constant 0 : index
    %get3A_0 = arith.constant 0 : index
    %get3A_1 = arith.constant 0 : index
    %get3A_2 = vector.load %arg1[%get3A, %get3A_0, %get3A_1] : memref<1x1x34928xi32, #tpu.memory_space<vmem>>, vector<1x1x34928xi32>
    %get3A_3 = vector.shape_cast %get3A_2 : vector<1x1x34928xi32> to vector<1x34928xi32>
    %gt3A = arith.constant 0 : i32
    %gt3A_4 = vector.broadcast %gt3A : i32 to vector<1x34928xi32>
    %gt3A_5 = arith.cmpi sgt, %get3A_3, %gt3A_4 : vector<1x34928xi32>
    %convert_element_type3A = arith.extui %gt3A_5 : vector<1x34928xi1> to vector<1x34928xi32>
    %convert_element_type3A_6 = arith.sitofp %convert_element_type3A : vector<1x34928xi32> to vector<1x34928xf32>
    %reduce_sum3A = vector.shape_cast %convert_element_type3A_6 : vector<1x34928xf32> to vector<1x1x34928xf32>
    %reduce_sum3A_7 = arith.constant dense<0.000000e+00> : vector<1xf32>
    %reduce_sum3A_8 = vector.multi_reduction <add>, %reduce_sum3A, %reduce_sum3A_7 [1, 2] : vector<1x1x34928xf32> to vector<1xf32>
    %reduce_sum3A_9 = vector.shape_cast %reduce_sum3A_8 : vector<1xf32> to vector<1x1x1xf32>
    %reduce_sum3A_10 = vector.extract %reduce_sum3A_9[0, 0, 0] : f32 from vector<1x1x1xf32>
    %broadcast_in_dim3A = vector.broadcast %reduce_sum3A_10 : f32 to vector<1x1x128xf32>
    %swap3A = arith.constant 0 : index
    %swap3A_11 = arith.constant 0 : index
    %swap3A_12 = arith.constant 0 : index
    %swap3A_13 = vector.load %arg6[%swap3A, %swap3A_11, %swap3A_12] : memref<1x1x128xf32, #tpu.memory_space<vmem>>, vector<1x1x128xf32>
    tpu.vector_store %arg6[%swap3A, %swap3A_11, %swap3A_12], %broadcast_in_dim3A {strides = array<i32>} : memref<1x1x128xf32, #tpu.memory_space<vmem>>, vector<1x1x128xf32>,
    %get3A_14 = arith.constant 0 : index
    %get3A_15 = arith.constant 0 : index
    %get3A_16 = arith.constant 0 : index
    %get3A_17 = vector.load %arg2[%get3A_14, %get3A_15, %get3A_16] : memref<1x4x34928xf32, #tpu.memory_space<vmem>>, vector<1x4x34928xf32>
    %get3A_18 = vector.shape_cast %get3A_17 : vector<1x4x34928xf32> to vector<4x34928xf32>
    %get3A_19 = arith.constant 0 : index
    %get3A_20 = arith.constant 0 : index
    %get3A_21 = arith.constant 0 : index
    %get3A_22 = vector.load %arg3[%get3A_19, %get3A_20, %get3A_21] : memref<1x4x34928xf32, #tpu.memory_space<vmem>>, vector<1x4x34928xf32>
    %get3A_23 = vector.shape_cast %get3A_22 : vector<1x4x34928xf32> to vector<4x34928xf32>
    %sub3A = arith.subf %get3A_18, %get3A_23 : vector<4x34928xf32>
    %abs3A = math.absf %sub3A : vector<4x34928xf32>
    %lt3A = arith.constant 1.000000e+00 : f32
    %lt3A_24 = vector.broadcast %lt3A : f32 to vector<4x34928xf32>
    %lt3A_25 = arith.cmpf olt, %abs3A, %lt3A_24 : vector<4x34928xf32>
    %mul3A = arith.constant 5.000000e-01 : f32
    %mul3A_26 = vector.broadcast %mul3A : f32 to vector<4x34928xf32>
    %mul3A_27 = arith.mulf %mul3A_26, %sub3A : vector<4x34928xf32>
    %mul3A_28 = arith.mulf %mul3A_27, %sub3A : vector<4x34928xf32>
    %sub3A_29 = arith.constant 5.000000e-01 : f32
    %sub3A_30 = vector.broadcast %sub3A_29 : f32 to vector<4x34928xf32>
    %sub3A_31 = arith.subf %abs3A, %sub3A_30 : vector<4x34928xf32>
    %select_n3A = arith.select %lt3A_25, %mul3A_28, %sub3A_31 : vector<4x34928xi1>, vector<4x34928xf32>
    %mul3A_32 = vector.broadcast %convert_element_type3A_6 : vector<1x34928xf32> to vector<4x34928xf32>
    %mul3A_33 = arith.mulf %select_n3A, %mul3A_32 : vector<4x34928xf32>
    %reduce_sum3A_34 = vector.shape_cast %mul3A_33 : vector<4x34928xf32> to vector<1x4x34928xf32>
    %reduce_sum3A_35 = arith.constant dense<0.000000e+00> : vector<1xf32>
    %reduce_sum3A_36 = vector.multi_reduction <add>, %reduce_sum3A_34, %reduce_sum3A_35 [1, 2] : vector<1x4x34928xf32> to vector<1xf32>
    %reduce_sum3A_37 = vector.shape_cast %reduce_sum3A_36 : vector<1xf32> to vector<1x1x1xf32>
    %reduce_sum3A_38 = vector.extract %reduce_sum3A_37[0, 0, 0] : f32 from vector<1x1x1xf32>
    %eq3A = arith.constant 0 : i32
    %eq3A_39 = arith.cmpi eq, %arg0, %eq3A : i32
    %convert_element_type3A_40 = arith.extui %eq3A_39 : i1 to i32
    %cond3A = arith.constant 0 : i32
    %cond3A_41 = arith.cmpi ne, %convert_element_type3A_40, %cond3A : i32
    scf.if %cond3A_41 {
      %get3A_51 = arith.constant 0 : index
      %get3A_52 = arith.constant 0 : index
      %get3A_53 = vector.load %arg4[%get3A_51, %get3A_52] : memref<2500x128xf32, #tpu.memory_space<vmem>>, vector<2500x128xf32>
      %get3A_54 = arith.constant 0 : index
      %get3A_55 = arith.constant 0 : index
      %get3A_56 = vector.load %arg5[%get3A_54, %get3A_55] : memref<2500x128xf32, #tpu.memory_space<vmem>>, vector<2500x128xf32>
      %swap3A_57 = arith.constant 0.000000e+00 : f32
      %swap3A_58 = arith.constant 0 : index
      %swap3A_59 = memref.load %arg8[%swap3A_58] : memref<4xf32, #tpu.memory_space<smem>>
      memref.store %swap3A_57, %arg8[%swap3A_58] : memref<4xf32, #tpu.memory_space<smem>>
      %mul3A_60 = arith.mulf %get3A_53, %get3A_56 : vector<2500x128xf32>
      %reduce_sum3A_61 = vector.shape_cast %mul3A_60 : vector<2500x128xf32> to vector<1x2500x128xf32>
      %reduce_sum3A_62 = arith.constant dense<0.000000e+00> : vector<1xf32>
      %reduce_sum3A_63 = vector.multi_reduction <add>, %reduce_sum3A_61, %reduce_sum3A_62 [1, 2] : vector<1x2500x128xf32> to vector<1xf32>
      %reduce_sum3A_64 = vector.shape_cast %reduce_sum3A_63 : vector<1xf32> to vector<1x1x1xf32>
      %reduce_sum3A_65 = vector.extract %reduce_sum3A_64[0, 0, 0] : f32 from vector<1x1x1xf32>
      %swap3A_66 = arith.constant 1 : index
      %swap3A_67 = memref.load %arg8[%swap3A_66] : memref<4xf32, #tpu.memory_space<smem>>
      memref.store %reduce_sum3A_65, %arg8[%swap3A_66] : memref<4xf32, #tpu.memory_space<smem>>
      %reduce_sum3A_68 = vector.shape_cast %get3A_53 : vector<2500x128xf32> to vector<1x2500x128xf32>
      %reduce_sum3A_69 = arith.constant dense<0.000000e+00> : vector<1xf32>
      %reduce_sum3A_70 = vector.multi_reduction <add>, %reduce_sum3A_68, %reduce_sum3A_69 [1, 2] : vector<1x2500x128xf32> to vector<1xf32>
      %reduce_sum3A_71 = vector.shape_cast %reduce_sum3A_70 : vector<1xf32> to vector<1x1x1xf32>
      %reduce_sum3A_72 = vector.extract %reduce_sum3A_71[0, 0, 0] : f32 from vector<1x1x1xf32>
      %reduce_sum3A_73 = vector.shape_cast %get3A_56 : vector<2500x128xf32> to vector<1x2500x128xf32>
      %reduce_sum3A_74 = arith.constant dense<0.000000e+00> : vector<1xf32>
      %reduce_sum3A_75 = vector.multi_reduction <add>, %reduce_sum3A_73, %reduce_sum3A_74 [1, 2] : vector<1x2500x128xf32> to vector<1xf32>
      %reduce_sum3A_76 = vector.shape_cast %reduce_sum3A_75 : vector<1xf32> to vector<1x1x1xf32>
      %reduce_sum3A_77 = vector.extract %reduce_sum3A_76[0, 0, 0] : f32 from vector<1x1x1xf32>
      %add3A_78 = arith.addf %reduce_sum3A_72, %reduce_sum3A_77 : f32
      %swap3A_79 = arith.constant 2 : index
      %swap3A_80 = memref.load %arg8[%swap3A_79] : memref<4xf32, #tpu.memory_space<smem>>
      memref.store %add3A_78, %arg8[%swap3A_79] : memref<4xf32, #tpu.memory_space<smem>>
    } else {
    }
    %get3A_42 = arith.constant 0 : index
    %get3A_43 = memref.load %arg8[%get3A_42] : memref<4xf32, #tpu.memory_space<smem>>
    %add3A = arith.addf %get3A_43, %reduce_sum3A_38 : f32
    %swap3A_44 = arith.constant 0 : index
    %swap3A_45 = memref.load %arg8[%swap3A_44] : memref<4xf32, #tpu.memory_space<smem>>
    memref.store %add3A, %arg8[%swap3A_44] : memref<4xf32, #tpu.memory_space<smem>>
    %eq3A_46 = arith.constant 31 : i32
    %eq3A_47 = arith.cmpi eq, %arg0, %eq3A_46 : i32
    %convert_element_type3A_48 = arith.extui %eq3A_47 : i1 to i32
    %cond3A_49 = arith.constant 0 : i32
    %cond3A_50 = arith.cmpi ne, %convert_element_type3A_48, %cond3A_49 : i32
    scf.if %cond3A_50 {
      %get3A_51 = arith.constant 0 : index
      %get3A_52 = memref.load %arg8[%get3A_51] : memref<4xf32, #tpu.memory_space<smem>>
      %swap3A_53 = arith.constant 0 : index
      %swap3A_54 = memref.load %arg7[%swap3A_53] : memref<4xf32, #tpu.memory_space<smem>>
      memref.store %get3A_52, %arg7[%swap3A_53] : memref<4xf32, #tpu.memory_space<smem>>
      %get3A_55 = arith.constant 1 : index
      %get3A_56 = memref.load %arg8[%get3A_55] : memref<4xf32, #tpu.memory_space<smem>>
      %swap3A_57 = arith.constant 1 : index
      %swap3A_58 = memref.load %arg7[%swap3A_57] : memref<4xf32, #tpu.memory_space<smem>>
      memref.store %get3A_56, %arg7[%swap3A_57] : memref<4xf32, #tpu.memory_space<smem>>
      %get3A_59 = arith.constant 2 : index
      %get3A_60 = memref.load %arg8[%get3A_59] : memref<4xf32, #tpu.memory_space<smem>>
      %swap3A_61 = arith.constant 2 : index
      %swap3A_62 = memref.load %arg7[%swap3A_61] : memref<4xf32, #tpu.memory_space<smem>>
      memref.store %get3A_60, %arg7[%swap3A_61] : memref<4xf32, #tpu.memory_space<smem>>
      %swap3A_63 = arith.constant 0.000000e+00 : f32
      %swap3A_64 = arith.constant 3 : index
      %swap3A_65 = memref.load %arg7[%swap3A_64] : memref<4xf32, #tpu.memory_space<smem>>
      memref.store %swap3A_63, %arg7[%swap3A_64] : memref<4xf32, #tpu.memory_space<smem>>
    } else {
    }
    return
  }
  func.func @transform_0(%arg0: i32) -> (i32, i32, i32) {
    %c0_i32 = arith.constant 0 : i32
    %c0_i32_0 = arith.constant 0 : i32
    %c0_i32_1 = arith.constant 0 : i32
    return %arg0, %c0_i32, %c0_i32_0 : i32, i32, i32
  }
  func.func @transform_1(%arg0: i32) -> (i32, i32, i32) {
    %c0_i32 = arith.constant 0 : i32
    %c0_i32_0 = arith.constant 0 : i32
    %c0_i32_1 = arith.constant 0 : i32
    return %arg0, %c0_i32, %c0_i32_0 : i32, i32, i32
  }
  func.func @transform_2(%arg0: i32) -> (i32, i32, i32) {
    %c0_i32 = arith.constant 0 : i32
    %c0_i32_0 = arith.constant 0 : i32
    %c0_i32_1 = arith.constant 0 : i32
    return %arg0, %c0_i32, %c0_i32_0 : i32, i32, i32
  }
  func.func @transform_3(%arg0: i32) -> (i32, i32) {
    %c0_i32 = arith.constant 0 : i32
    %c0_i32_0 = arith.constant 0 : i32
    %c0_i32_1 = arith.constant 0 : i32
    return %c0_i32, %c0_i32_0 : i32, i32
  }
  func.func @transform_4(%arg0: i32) -> (i32, i32) {
    %c0_i32 = arith.constant 0 : i32
    %c0_i32_0 = arith.constant 0 : i32
    %c0_i32_1 = arith.constant 0 : i32
    return %c0_i32, %c0_i32_0 : i32, i32
  }
  func.func @transform_5(%arg0: i32) -> (i32, i32, i32) {
    %c0_i32 = arith.constant 0 : i32
    %c0_i32_0 = arith.constant 0 : i32
    %c0_i32_1 = arith.constant 0 : i32
    return %arg0, %c0_i32, %c0_i32_0 : i32, i32, i32
  }
  func.func @transform_6(%arg0: i32) -> i32 {
    %c0_i32 = arith.constant 0 : i32
    %c0_i32_0 = arith.constant 0 : i32
    return %c0_i32 : i32
  }
}

module attributes {stable_mosaic.version = 14 : i64} {
  func.func @_conf_kernel(%arg0: i32, %arg1: memref<1x21x34928xf32, #tpu.memory_space<vmem>>, %arg2: memref<1x1x34928xi32, #tpu.memory_space<vmem>>, %arg3: memref<32x1x128xf32, #tpu.memory_space<vmem>>, %arg4: memref<4xf32, #tpu.memory_space<smem>>, %arg5: memref<4xf32, #tpu.memory_space<smem>>, %arg6: memref<32x1x34928xi32, #tpu.memory_space<vmem>>, %arg7: memref<4xf32, #tpu.memory_space<smem>>) attributes {dimension_semantics = [#tpu.dimension_semantics<arbitrary>], iteration_bounds = array<i64: 32>, scalar_prefetch = 0 : i64, scratch_operands = 2 : i64, tpu.core_type = #tpu.core_type<tc>, window_params = [{transform_indices = @transform_0, window_bounds = array<i64: 1, 21, 34928>}, {transform_indices = @transform_1, window_bounds = array<i64: 1, 1, 34928>}, {pipeline_mode = #tpu.pipeline_mode<synchronous>, transform_indices = @transform_2, window_bounds = array<i64: 32, 1, 128>}, {transform_indices = @transform_3, window_bounds = array<i64: 4>}, {transform_indices = @transform_4, window_bounds = array<i64: 4>}]} {
    %get3A = arith.constant 0 : index
    %get3A_0 = arith.constant 0 : index
    %get3A_1 = arith.constant 0 : index
    %get3A_2 = vector.load %arg1[%get3A, %get3A_0, %get3A_1] : memref<1x21x34928xf32, #tpu.memory_space<vmem>>, vector<1x21x34928xf32>
    %get3A_3 = vector.shape_cast %get3A_2 : vector<1x21x34928xf32> to vector<21x34928xf32>
    %get3A_4 = arith.constant 0 : index
    %get3A_5 = arith.constant 0 : index
    %get3A_6 = arith.constant 0 : index
    %get3A_7 = vector.load %arg2[%get3A_4, %get3A_5, %get3A_6] : memref<1x1x34928xi32, #tpu.memory_space<vmem>>, vector<1x1x34928xi32>
    %get3A_8 = vector.shape_cast %get3A_7 : vector<1x1x34928xi32> to vector<1x34928xi32>
    %exp3A = math.exp %get3A_3 : vector<21x34928xf32>
    %reduce_sum3A = arith.constant dense<0.000000e+00> : vector<34928xf32>
    %reduce_sum3A_9 = vector.multi_reduction <add>, %exp3A, %reduce_sum3A [0] : vector<21x34928xf32> to vector<34928xf32>
    %broadcast_in_dim3A = vector.shape_cast %reduce_sum3A_9 : vector<34928xf32> to vector<1x34928xf32>
    %log3A = math.log %broadcast_in_dim3A : vector<1x34928xf32>
    %iota3A = tpu.iota {dimensions = array<i32: 0>} : vector<21x34928xi32>
    %eq3A = vector.broadcast %get3A_8 : vector<1x34928xi32> to vector<21x34928xi32>
    %eq3A_10 = arith.cmpi eq, %iota3A, %eq3A : vector<21x34928xi32>
    %jit3A = arith.constant 0.000000e+00 : f32
    %broadcast_in_dim3A_11 = vector.broadcast %jit3A : f32 to vector<21x34928xf32>
    %select_n3A = arith.select %eq3A_10, %get3A_3, %broadcast_in_dim3A_11 : vector<21x34928xi1>, vector<21x34928xf32>
    %reduce_sum3A_12 = arith.constant dense<0.000000e+00> : vector<34928xf32>
    %reduce_sum3A_13 = vector.multi_reduction <add>, %select_n3A, %reduce_sum3A_12 [0] : vector<21x34928xf32> to vector<34928xf32>
    %broadcast_in_dim3A_14 = vector.shape_cast %reduce_sum3A_13 : vector<34928xf32> to vector<1x34928xf32>
    %sub3A = arith.subf %log3A, %broadcast_in_dim3A_14 : vector<1x34928xf32>
    %gt3A = arith.constant 0 : i32
    %gt3A_15 = vector.broadcast %gt3A : i32 to vector<1x34928xi32>
    %gt3A_16 = arith.cmpi sgt, %get3A_8, %gt3A_15 : vector<1x34928xi32>
    %jit3A_17 = arith.constant 0.000000e+00 : f32
    %broadcast_in_dim3A_18 = vector.broadcast %jit3A_17 : f32 to vector<1x34928xf32>
    %select_n3A_19 = arith.select %gt3A_16, %broadcast_in_dim3A_18, %sub3A : vector<1x34928xi1>, vector<1x34928xf32>
    %max3A = arith.constant 0.000000e+00 : f32
    %max3A_20 = vector.broadcast %max3A : f32 to vector<1x34928xf32>
    %max3A_21 = arith.maximumf %select_n3A_19, %max3A_20 : vector<1x34928xf32>
    %bitcast_convert_type3A = tpu.bitcast %max3A_21 : vector<1x34928xf32> -> vector<1x34928xi32>
    %broadcast_in_dim3A_22 = vector.shape_cast %bitcast_convert_type3A : vector<1x34928xi32> to vector<1x1x34928xi32>
    %swap3A = arith.index_cast %arg0 : i32 to index
    %swap3A_23 = arith.constant 0 : index
    %swap3A_24 = arith.constant 0 : index
    %swap3A_25 = vector.load %arg6[%swap3A, %swap3A_23, %swap3A_24] : memref<32x1x34928xi32, #tpu.memory_space<vmem>>, vector<1x1x34928xi32>
    tpu.vector_store %arg6[%swap3A, %swap3A_23, %swap3A_24], %broadcast_in_dim3A_22 {strides = array<i32>} : memref<32x1x34928xi32, #tpu.memory_space<vmem>>, vector<1x1x34928xi32>,
    %jit3A_26 = arith.constant 0.000000e+00 : f32
    %broadcast_in_dim3A_27 = vector.broadcast %jit3A_26 : f32 to vector<1x34928xf32>
    %select_n3A_28 = arith.select %gt3A_16, %sub3A, %broadcast_in_dim3A_27 : vector<1x34928xi1>, vector<1x34928xf32>
    %reduce_sum3A_29 = vector.shape_cast %select_n3A_28 : vector<1x34928xf32> to vector<1x1x34928xf32>
    %reduce_sum3A_30 = arith.constant dense<0.000000e+00> : vector<1xf32>
    %reduce_sum3A_31 = vector.multi_reduction <add>, %reduce_sum3A_29, %reduce_sum3A_30 [1, 2] : vector<1x1x34928xf32> to vector<1xf32>
    %reduce_sum3A_32 = vector.shape_cast %reduce_sum3A_31 : vector<1xf32> to vector<1x1x1xf32>
    %reduce_sum3A_33 = vector.extract %reduce_sum3A_32[0, 0, 0] : f32 from vector<1x1x1xf32>
    %eq3A_34 = arith.constant 0 : i32
    %eq3A_35 = arith.cmpi eq, %arg0, %eq3A_34 : i32
    %convert_element_type3A = arith.extui %eq3A_35 : i1 to i32
    %cond3A = arith.constant 0 : i32
    %cond3A_36 = arith.cmpi ne, %convert_element_type3A, %cond3A : i32
    scf.if %cond3A_36 {
      %swap3A_46 = arith.constant 0.000000e+00 : f32
      %swap3A_47 = arith.constant 0 : index
      %swap3A_48 = memref.load %arg7[%swap3A_47] : memref<4xf32, #tpu.memory_space<smem>>
      memref.store %swap3A_46, %arg7[%swap3A_47] : memref<4xf32, #tpu.memory_space<smem>>
    } else {
    }
    %get3A_37 = arith.constant 0 : index
    %get3A_38 = memref.load %arg7[%get3A_37] : memref<4xf32, #tpu.memory_space<smem>>
    %add3A = arith.addf %get3A_38, %reduce_sum3A_33 : f32
    %swap3A_39 = arith.constant 0 : index
    %swap3A_40 = memref.load %arg7[%swap3A_39] : memref<4xf32, #tpu.memory_space<smem>>
    memref.store %add3A, %arg7[%swap3A_39] : memref<4xf32, #tpu.memory_space<smem>>
    %eq3A_41 = arith.constant 31 : i32
    %eq3A_42 = arith.cmpi eq, %arg0, %eq3A_41 : i32
    %convert_element_type3A_43 = arith.extui %eq3A_42 : i1 to i32
    %cond3A_44 = arith.constant 0 : i32
    %cond3A_45 = arith.cmpi ne, %convert_element_type3A_43, %cond3A_44 : i32
    scf.if %cond3A_45 {
      %get3A_46 = arith.constant 0 : index
      %get3A_47 = arith.constant 0 : index
      %get3A_48 = arith.constant 0 : index
      %get3A_49 = vector.load %arg3[%get3A_46, %get3A_47, %get3A_48] : memref<32x1x128xf32, #tpu.memory_space<vmem>>, vector<32x1x1xf32>
      %convert_element_type3A_50 = arith.fptosi %get3A_49 : vector<32x1x1xf32> to vector<32x1x1xi32>
      %mul3A = arith.constant 3 : i32
      %mul3A_51 = vector.broadcast %mul3A : i32 to vector<32x1x1xi32>
      %mul3A_52 = arith.muli %mul3A_51, %convert_element_type3A_50 : vector<32x1x1xi32>
      %min3A = arith.constant 34927 : i32
      %min3A_53 = vector.broadcast %min3A : i32 to vector<32x1x1xi32>
      %min3A_54 = arith.minsi %mul3A_52, %min3A_53 : vector<32x1x1xi32>
      %broadcast_in_dim3A_55 = arith.constant 0 : i32
      %broadcast_in_dim3A_56 = vector.broadcast %broadcast_in_dim3A_55 : i32 to vector<32x1x1xi32>
      %broadcast_in_dim3A_57 = arith.constant 2139095040 : i32
      %broadcast_in_dim3A_58 = vector.broadcast %broadcast_in_dim3A_57 : i32 to vector<32x1x1xi32>
      %scan3A = arith.constant 0 : i32
      %scan3A_59 = arith.constant 31 : i32
      %scan3A_60 = arith.addi %scan3A, %scan3A_59 : i32
      %scan3A_61 = arith.constant 1 : i32
      %scan3A_62:2 = scf.for %scan3A_124 = %scan3A to %scan3A_60 step %scan3A_61 iter_args(%scan3A_125 = %broadcast_in_dim3A_56, %scan3A_126 = %broadcast_in_dim3A_58) -> (vector<32x1x1xi32>, vector<32x1x1xi32>)  : i32 {
        %sub3A_127 = arith.subi %scan3A_126, %scan3A_125 : vector<32x1x1xi32>
        %jit3A_128 = arith.constant 2 : i32
        %div3A_129 = vector.broadcast %jit3A_128 : i32 to vector<32x1x1xi32>
        %div3A_130 = arith.divsi %sub3A_127, %div3A_129 : vector<32x1x1xi32>
        %sign3A = arith.constant 0 : i32
        %sign3A_131 = vector.broadcast %sign3A : i32 to vector<32x1x1xi32>
        %sign3A_132 = arith.cmpi sgt, %sub3A_127, %sign3A_131 : vector<32x1x1xi32>
        %sign3A_133 = arith.extui %sign3A_132 : vector<32x1x1xi1> to vector<32x1x1xi32>
        %sign3A_134 = arith.constant 0 : i32
        %sign3A_135 = vector.broadcast %sign3A_134 : i32 to vector<32x1x1xi32>
        %sign3A_136 = arith.cmpi slt, %sub3A_127, %sign3A_135 : vector<32x1x1xi32>
        %sign3A_137 = arith.extui %sign3A_136 : vector<32x1x1xi1> to vector<32x1x1xi32>
        %sign3A_138 = arith.subi %sign3A_133, %sign3A_137 : vector<32x1x1xi32>
        %sign3A_139 = arith.constant 0 : i32
        %sign3A_140 = arith.cmpi sgt, %jit3A_128, %sign3A_139 : i32
        %sign3A_141 = arith.extui %sign3A_140 : i1 to i32
        %sign3A_142 = arith.constant 0 : i32
        %sign3A_143 = arith.cmpi slt, %jit3A_128, %sign3A_142 : i32
        %sign3A_144 = arith.extui %sign3A_143 : i1 to i32
        %sign3A_145 = arith.subi %sign3A_141, %sign3A_144 : i32
        %ne3A = vector.broadcast %sign3A_145 : i32 to vector<32x1x1xi32>
        %ne3A_146 = arith.cmpi ne, %sign3A_138, %ne3A : vector<32x1x1xi32>
        %rem3A = vector.broadcast %jit3A_128 : i32 to vector<32x1x1xi32>
        %rem3A_147 = arith.remsi %sub3A_127, %rem3A : vector<32x1x1xi32>
        %ne3A_148 = arith.constant 0 : i32
        %ne3A_149 = vector.broadcast %ne3A_148 : i32 to vector<32x1x1xi32>
        %ne3A_150 = arith.cmpi ne, %rem3A_147, %ne3A_149 : vector<32x1x1xi32>
        %and3A = arith.andi %ne3A_146, %ne3A_150 : vector<32x1x1xi1>
        %sub3A_151 = arith.constant 1 : i32
        %sub3A_152 = vector.broadcast %sub3A_151 : i32 to vector<32x1x1xi32>
        %sub3A_153 = arith.subi %div3A_130, %sub3A_152 : vector<32x1x1xi32>
        %select_n3A_154 = arith.select %and3A, %sub3A_153, %div3A_130 : vector<32x1x1xi1>, vector<32x1x1xi32>
        %add3A_155 = arith.addi %scan3A_125, %select_n3A_154 : vector<32x1x1xi32>
        %get3A_156 = arith.constant 0 : index
        %get3A_157 = arith.constant 0 : index
        %get3A_158 = arith.constant 0 : index
        %get3A_159 = vector.load %arg6[%get3A_156, %get3A_157, %get3A_158] : memref<32x1x34928xi32, #tpu.memory_space<vmem>>, vector<32x1x34928xi32>
        %gt3A_160 = vector.broadcast %add3A_155 : vector<32x1x1xi32> to vector<32x1x34928xi32>
        %gt3A_161 = arith.cmpi sgt, %get3A_159, %gt3A_160 : vector<32x1x34928xi32>
        %convert_element_type3A_162 = arith.extui %gt3A_161 : vector<32x1x34928xi1> to vector<32x1x34928xi32>
        %reduce_sum3A_163 = arith.constant dense<0> : vector<32x1xi32>
        %reduce_sum3A_164 = vector.multi_reduction <add>, %convert_element_type3A_162, %reduce_sum3A_163 [2] : vector<32x1x34928xi32> to vector<32x1xi32>
        %broadcast_in_dim3A_165 = vector.shape_cast %reduce_sum3A_164 : vector<32x1xi32> to vector<32x1x1xi32>
        %lt3A = arith.cmpi slt, %broadcast_in_dim3A_165, %min3A_54 : vector<32x1x1xi32>
        %add3A_166 = arith.constant 1 : i32
        %add3A_167 = vector.broadcast %add3A_166 : i32 to vector<32x1x1xi32>
        %add3A_168 = arith.addi %add3A_155, %add3A_167 : vector<32x1x1xi32>
        %select_n3A_169 = arith.select %lt3A, %scan3A_125, %add3A_168 : vector<32x1x1xi1>, vector<32x1x1xi32>
        %select_n3A_170 = arith.select %lt3A, %add3A_155, %scan3A_126 : vector<32x1x1xi1>, vector<32x1x1xi32>
        scf.yield %select_n3A_169, %select_n3A_170 : vector<32x1x1xi32>, vector<32x1x1xi32>
      }
      %get3A_63 = arith.constant 0 : index
      %get3A_64 = arith.constant 0 : index
      %get3A_65 = arith.constant 0 : index
      %get3A_66 = vector.load %arg6[%get3A_63, %get3A_64, %get3A_65] : memref<32x1x34928xi32, #tpu.memory_space<vmem>>, vector<32x1x34928xi32>
      %gt3A_67 = vector.broadcast %scan3A_62#0 : vector<32x1x1xi32> to vector<32x1x34928xi32>
      %gt3A_68 = arith.cmpi sgt, %get3A_66, %gt3A_67 : vector<32x1x34928xi32>
      %convert_element_type3A_69 = arith.extui %gt3A_68 : vector<32x1x34928xi1> to vector<32x1x34928xi32>
      %reduce_sum3A_70 = arith.constant dense<0> : vector<32x1xi32>
      %reduce_sum3A_71 = vector.multi_reduction <add>, %convert_element_type3A_69, %reduce_sum3A_70 [2] : vector<32x1x34928xi32> to vector<32x1xi32>
      %broadcast_in_dim3A_72 = vector.shape_cast %reduce_sum3A_71 : vector<32x1xi32> to vector<32x1x1xi32>
      %bitcast_convert_type3A_73 = tpu.bitcast %get3A_66 : vector<32x1x34928xi32> -> vector<32x1x34928xf32>
      %jit3A_74 = arith.constant 0.000000e+00 : f32
      %broadcast_in_dim3A_75 = vector.broadcast %jit3A_74 : f32 to vector<32x1x34928xf32>
      %select_n3A_76 = arith.select %gt3A_68, %bitcast_convert_type3A_73, %broadcast_in_dim3A_75 : vector<32x1x34928xi1>, vector<32x1x34928xf32>
      %reduce_sum3A_77 = arith.constant dense<0.000000e+00> : vector<32x1xf32>
      %reduce_sum3A_78 = vector.multi_reduction <add>, %select_n3A_76, %reduce_sum3A_77 [2] : vector<32x1x34928xf32> to vector<32x1xf32>
      %broadcast_in_dim3A_79 = vector.shape_cast %reduce_sum3A_78 : vector<32x1xf32> to vector<32x1x1xf32>
      %gt3A_80 = arith.constant 0 : i32
      %gt3A_81 = vector.broadcast %gt3A_80 : i32 to vector<32x1x1xi32>
      %gt3A_82 = arith.cmpi sgt, %min3A_54, %gt3A_81 : vector<32x1x1xi32>
      %bitcast_convert_type3A_83 = tpu.bitcast %scan3A_62#0 : vector<32x1x1xi32> -> vector<32x1x1xf32>
      %jit3A_84 = arith.constant 0.000000e+00 : f32
      %broadcast_in_dim3A_85 = vector.broadcast %jit3A_84 : f32 to vector<32x1x1xf32>
      %select_n3A_86 = arith.select %gt3A_82, %bitcast_convert_type3A_83, %broadcast_in_dim3A_85 : vector<32x1x1xi1>, vector<32x1x1xf32>
      %sub3A_87 = arith.subi %min3A_54, %broadcast_in_dim3A_72 : vector<32x1x1xi32>
      %convert_element_type3A_88 = arith.sitofp %sub3A_87 : vector<32x1x1xi32> to vector<32x1x1xf32>
      %mul3A_89 = arith.mulf %convert_element_type3A_88, %select_n3A_86 : vector<32x1x1xf32>
      %add3A_90 = arith.addf %broadcast_in_dim3A_79, %mul3A_89 : vector<32x1x1xf32>
      %reduce_sum3A_91 = vector.shape_cast %add3A_90 : vector<32x1x1xf32> to vector<1x32x1x1xf32>
      %reduce_sum3A_92 = arith.constant dense<0.000000e+00> : vector<1xf32>
      %reduce_sum3A_93 = vector.multi_reduction <add>, %reduce_sum3A_91, %reduce_sum3A_92 [1, 2, 3] : vector<1x32x1x1xf32> to vector<1xf32>
      %reduce_sum3A_94 = vector.shape_cast %reduce_sum3A_93 : vector<1xf32> to vector<1x1x1x1xf32>
      %reduce_sum3A_95 = vector.extract %reduce_sum3A_94[0, 0, 0, 0] : f32 from vector<1x1x1x1xf32>
      %reduce_sum3A_96 = vector.shape_cast %get3A_49 : vector<32x1x1xf32> to vector<1x32x1x1xf32>
      %reduce_sum3A_97 = arith.constant dense<0.000000e+00> : vector<1xf32>
      %reduce_sum3A_98 = vector.multi_reduction <add>, %reduce_sum3A_96, %reduce_sum3A_97 [1, 2, 3] : vector<1x32x1x1xf32> to vector<1xf32>
      %reduce_sum3A_99 = vector.shape_cast %reduce_sum3A_98 : vector<1xf32> to vector<1x1x1x1xf32>
      %reduce_sum3A_100 = vector.extract %reduce_sum3A_99[0, 0, 0, 0] : f32 from vector<1x1x1x1xf32>
      %get3A_101 = arith.constant 0 : index
      %get3A_102 = memref.load %arg4[%get3A_101] : memref<4xf32, #tpu.memory_space<smem>>
      %div3A = arith.divf %get3A_102, %reduce_sum3A_100 : f32
      %swap3A_103 = arith.constant 0 : index
      %swap3A_104 = memref.load %arg5[%swap3A_103] : memref<4xf32, #tpu.memory_space<smem>>
      memref.store %div3A, %arg5[%swap3A_103] : memref<4xf32, #tpu.memory_space<smem>>
      %get3A_105 = arith.constant 0 : index
      %get3A_106 = memref.load %arg7[%get3A_105] : memref<4xf32, #tpu.memory_space<smem>>
      %add3A_107 = arith.addf %get3A_106, %reduce_sum3A_95 : f32
      %div3A_108 = arith.divf %add3A_107, %reduce_sum3A_100 : f32
      %swap3A_109 = arith.constant 1 : index
      %swap3A_110 = memref.load %arg5[%swap3A_109] : memref<4xf32, #tpu.memory_space<smem>>
      memref.store %div3A_108, %arg5[%swap3A_109] : memref<4xf32, #tpu.memory_space<smem>>
      %get3A_111 = arith.constant 1 : index
      %get3A_112 = memref.load %arg4[%get3A_111] : memref<4xf32, #tpu.memory_space<smem>>
      %mul3A_113 = arith.constant 2.000000e+00 : f32
      %mul3A_114 = arith.mulf %mul3A_113, %get3A_112 : f32
      %get3A_115 = arith.constant 2 : index
      %get3A_116 = memref.load %arg4[%get3A_115] : memref<4xf32, #tpu.memory_space<smem>>
      %add3A_117 = arith.constant 9.99999974E-6 : f32
      %add3A_118 = arith.addf %get3A_116, %add3A_117 : f32
      %div3A_119 = arith.divf %mul3A_114, %add3A_118 : f32
      %sub3A_120 = arith.constant 1.000000e+00 : f32
      %sub3A_121 = arith.subf %sub3A_120, %div3A_119 : f32
      %swap3A_122 = arith.constant 2 : index
      %swap3A_123 = memref.load %arg5[%swap3A_122] : memref<4xf32, #tpu.memory_space<smem>>
      memref.store %sub3A_121, %arg5[%swap3A_122] : memref<4xf32, #tpu.memory_space<smem>>
    } else {
    }
    return
  }
  func.func @transform_0(%arg0: i32) -> (i32, i32, i32) {
    %c0_i32 = arith.constant 0 : i32
    %c0_i32_0 = arith.constant 0 : i32
    %c0_i32_1 = arith.constant 0 : i32
    return %arg0, %c0_i32, %c0_i32_0 : i32, i32, i32
  }
  func.func @transform_1(%arg0: i32) -> (i32, i32, i32) {
    %c0_i32 = arith.constant 0 : i32
    %c0_i32_0 = arith.constant 0 : i32
    %c0_i32_1 = arith.constant 0 : i32
    return %arg0, %c0_i32, %c0_i32_0 : i32, i32, i32
  }
  func.func @transform_2(%arg0: i32) -> (i32, i32, i32) {
    %c0_i32 = arith.constant 0 : i32
    %c0_i32_0 = arith.constant 0 : i32
    %c0_i32_1 = arith.constant 0 : i32
    %c0_i32_2 = arith.constant 0 : i32
    return %c0_i32, %c0_i32_0, %c0_i32_1 : i32, i32, i32
  }
  func.func @transform_3(%arg0: i32) -> i32 {
    %c0_i32 = arith.constant 0 : i32
    %c0_i32_0 = arith.constant 0 : i32
    return %c0_i32 : i32
  }
  func.func @transform_4(%arg0: i32) -> i32 {
    %c0_i32 = arith.constant 0 : i32
    %c0_i32_0 = arith.constant 0 : i32
    return %c0_i32 : i32
  }
}

</mosaic_0001>

<sc_bundles>
// kernel: sparse-core-data-format-call.cloned.1.call-start
scs
called_computation_lowered:
.L_overlay_start_0:
0x0: {  	s1 =	sld [smem:$0x3FD9]  }
0x1: {  	s2 =	sld [smem:$0x3FFE];
	_ =	sdelay $0x1  }
0x2: {  	s3 =	srdreg.scid  }
0x3: {  	s0 =	sand.u32 $0x1, s3  }
0x4: {  	s17 =	sshll.u32 s0, $0xA;
	s1 =	sadd.s32 s2, s1  }
0x5: {  	s1 =	sadd.s32 s1, s17  }
0x6: {  	[smem:$0x3FC2] =	sst s1  }
0x7: {  	_ = 	snop  }
0x8: {  	(tm) =	ssettm $0x1  }
0x9: {  	s18 =	sld [smem:$0x3FFB];
	_ =	sdelay $0x3  }
0xa: {  	_ =	strace s18  }
0xb: {  	s1 =	sld [smem:$0x3FFC];
	_ =	sdelay $0x3  }
0xc: {  	_ =	strace s1  }
0xd: {  	s1 =	sld [smem:$0x3FFD];
	_ =	sdelay $0x3  }
0xe: {  	_ =	strace s1  }
0xf: {  	_ =	strace $0x8FFFFFFF  }
0x10: {  	s19 =	sld [smem:$0x3FDB];
	_ =	sdelay $0x1  }
0x11: {  	s20 =	simm.s32 $_scs_section_size  }
0x12: {  	s4 =	simm.s32 $_size__tile_overlayer_lowered;
	s5 =	simm.s32 $_tile_overlayer_lowered  }
0x13: {  	s23 =	simm.s32 $0x1BFF;
	s22 =	sshll.u32 s5, $0x1;
	s1 =	sadd.s32 s20, s19  }
0x14: {  	s6 =	simm.s32 $0x0;
	s21 =	sshll.u32 s4, $0x1;
	s4 =	sadd.s32 s22, s1  }
0x15: {  	[timem:s6], [sflag:s23] =	dma.local [hbm:s4], s21  }
0x16: {  	_ =	swait.ge [sflag:s23], s21  }
0x17: {  	s2 =	ssub.s32 $0x0, s21;
	[sflag:s23] =	ssyncset.done $0x0  }
0x18: {  	[sflag:s23] =	ssyncadd.s32 s2;
	_ =	sdelay $0x1  }
0x19: {  	s24 =	simm.s32 $0x1B8B  }
0x1a: {  	_ =	swait.ge [sflag:s24], $0x1  }
0x1b: {  	[sflag:s24] =	ssyncset.done $0x0  }
0x1c: {  	s26 =	simm.s32 $0x1B8E;
	s25 =	sld [smem:$0x3FFE];
	[sflag:s24] =	ssyncadd.s32 $0xFFFFFFFF  }
0x1d: {  	s27 =	simm.s32 $execute0_lowered;
	[smem:$0x3FD2] =	sst s26  }
0x1e: {  	s4 =	sshll.u32 s27, $0x1;
	_ =	strace $0x80000046;
	[dreg:$0x1] =	wrdreg $0xFFFFFFFF  }
0x1f: {  	s28 =	simm.s32 $_size_execute0_lowered;
	s1 =	sadd.s32 s1, s4;
	[dreg:$0x0] =	wrdreg $0x0  }
0x20: {  	s4 =	sshll.u32 s28, $0x1;
	[dreg:$0x2] =	wrdreg s1  }
0x21: {  	[dreg:$0x3] =	wrdreg s4  }
0x22: {  	[dreg:$0x4] =	wrdreg $0xC0  }
0x23: {  	_ =	task [dreg:s6], $0x5FFFF  }
0x24: {  	[dreg:$0x1] =	wrdreg $0xFFFFFFFF  }
0x25: {  	[dreg:$0x0] =	wrdreg $0x60  }
0x26: {  	[dreg:$0x2] =	wrdreg s25  }
0x27: {  	[dreg:$0x3] =	wrdreg $0x9  }
0x28: {  	_ =	task.clear_ibuf [dreg:s6], $0x4FFFF;
	_ =	strace $0x90000046  }
0x29: {  	s29 =	simm.s32 $0x9;
	_ =	strace $0x80000048  }
0x2a: {  	_ =	swait.ge [sflag:s29], $0x1  }
0x2b: {  	[sflag:s29] =	ssyncadd.s32 $0xFFFFFFFF  }
0x2c: {  	_ =	strace $0x90000048  }
0x2d: {  	_ =	sfence  }
0x2e: {  	s30 =	sld [smem:$0x0];
	_ =	sdelay $0x2  }
0x2f: {  	s31 =	sshll.u32 s3, $0xD;
	s3 =	sshrl.u32 s3, $0x2  }
0x30: {  	s2 =	sand.u32 $0x4000, s31;
	s1 =	sadd.s32 s3, s30  }
0x31: {  	s0 =	sor.u32 s2, s0;
	s1 =	sshll.u32 s1, $0x11  }
0x32: {  	s0 =	sor.u32 s1, s0  }
0x33: {  	s0 =	sadd.s32 $0x8F2B, s0  }
0x34: {  	[sflag:s0] =	ssyncadd.remote.s32 $0x1  }
0x35: {  	_ =	sfence.sel $0xFFFF  }
0x36: {  	[dreg:$0x0] =	wrdreg $0xFFFFFFFF;
	(pc) =	sbr.abs _section_cstart, $3  }
0x37: {  	[dreg:$0x1] =	wrdreg $0xFFFFFFFF  }
0x38: {  	_ =	task.clear_ibuf [dreg:s6], $0x2FFFF;
	_ =	strace $0x9FFFFFFF  }
0x39: {  	(tm) =	ssettm $0x7FFFFFFF  }
tec
execute0_lowered:
.L_overlay_start_1:
0x0: {  	(tag) =	ssettag $0x1  }
0x1: {  	s0 =	srdreg.scid  }
0x2: {  	s5 =	rddreg [dreg:$0x0];
	s4 =	simm.s32 $0x1;
	s1 =	sshll.u32 s0, $0x4  }
0x3: {  	s31 =	simm.s32 $0x2;
	s0 =	stileid.u32;
	s1 =	sand.u32 $0x10, s1  }
0x4: {  	s12 =	simm.s32 $0x0;
	p0 =	por $0x0, $0x0;
	s1 =	sor.u32 s0, s1  }
0x5: {  	s8 =	simm.s32 $0xCCC00;
	s13 =	simm.s32 $0x0;
	s2 =	sshll.u32 s1, $0x7  }
.Ltmp0:
0x6: {  	s10 =	simm.s32 $0x0;
	s3 =	ssub.s32 $0x8800, s2;
	(pc) =	sbr.rel .LBB1_1-.Ltmp0, $4  }
0x7: {  	s1 =	rddreg [dreg:$0x1];
	_ =	strace $0x80000047;
	s6 =	sshrl.u32 s3, $0xC  }
0x8: {  	s11 =	simm.s32 $0x0;
	[sflag:s4] =	ssyncpa.u1 $0x0;
	s7 =	smul.u32 $0x15, s6  }
0x9: {  	s9 =	smov.u32 s2;
	s3 =	sadd.s32 $0x1E00, s5;
	s5 =	sadd.s32 $0xB33200, s5  }
0xa: {  	[sflag:s31] =	ssyncpa.u1 $0x0;
	s6 =	sadd.s32 $0x15, s7;
	s7 =	sadd.s32 $0x16, s7  }
.LBB1_5:
0xb: {  	s14 =	sadd.s32 $0x1000, s9  }
0xc: {  	s12 =	simm.s32 $0x1;
	p2 =	sgt.s32 s14, $0x886F  }
0xd: {  	s12 =	simm.s32 @!p2 $0x0  }
0xe: {  	s16 =	sadd.s32 s12, s10  }
0xf: {  	s14 =	smov.u32 @p2 s2;
	p2 =	sgt.s32 s16, $0x14  }
0x10: {  	s16 =	simm.s32 @p2 $0x0;
	p2 =	sne.s32 s11, s7  }
.Ltmp1:
0x11: {  	p1 =	slt.u32 s11, $0x2;
	(pc) =	sbr.rel @!p2 .LBB1_6-.Ltmp1, $4  }
0x12: {  	s15 =	simm.s32 @!p1 $0x2  }
0x13: {  	s13 =	smov.u32 s10;
	p0 =	por !p0, !p0;
	_ =	swait.ge @!p1 [sflag:s15], $0x1000  }
0x14: {  	[sflag:s15] =	ssyncset.done @!p1 $0x0;
	s12 =	smov.u32 s9;
	s9 =	smov.u32 s14  }
0x15: {  	[sflag:s15] =	ssyncadd.s32 @!p1 $0xFFFFF000;
	s11 =	sadd.s32 $0x1, s11;
	s10 =	smov.u32 s16  }
.LBB1_1:
0x16: {  	p1 =	sge.u32 s11, s6  }
0x17: {  	s16 =	smov.u32 s10;
	s18 =	smov.u32 s9;
	p2 =	sgt.s32 @!p1 s10, $0x14  }
0x18: {  	s14 =	sand.u32 @!p1 $0x1FFFFFF, s9;
	s17 =	sshra.s32 @!p1 s10, $0x1F;
	p2 =	por !p2, p1  }
0x19: {  	s19 =	sshra.s32 @!p1 s9, $0x1F;
	s16 =	simm.s32 @p2 $0x14;
	p2 =	sgt.s32 @!p1 s9, $0x87F0  }
0x1a: {  	s15 =	smulhi.u32 @!p1 $0x1E0565, s14;
	s17 =	sand.u32 @!p1 s17, s10;
	p2 =	por !p2, p1  }
0x1b: {  	s16 =	ssub.s32 @!p1 s16, s17;
	s17 =	sand.u32 @!p1 s19, s9;
	s18 =	simm.s32 @p2 $0x87F0  }
0x1c: {  	s16 =	sadd.s32 @!p1 $0xFFFFFFEC, s16;
	s17 =	ssub.s32 @!p1 s18, s17  }
0x1d: {  	s15 =	sshrl.u32 @!p1 s15, $0x4;
	p2 =	sgt.s32 @!p1 s16, $0x0;
	s18 =	sadd.s32 @!p1 $0xFFFF7810, s17  }
0x1e: {  	s16 =	sshll.u32 @!p1 s16, $0x5;
	s17 =	ssub.s32 @!p1 $0x8870, s17;
	p3 =	sgt.s32 @!p1 s18, $0x7F  }
0x1f: {  	s16 =	ssub.s32 @!p1 $0x20, s16;
	p2 =	por !p2, p1;
	p3 =	por !p3, p1  }
0x20: {  	s15 =	smul.u32 @!p1 $0x8870, s15;
	s16 =	simm.s32 @!p2 $0x0;
	s17 =	simm.s32 @!p3 $0x0  }
0x21: {  	s18 =	sxor.u32 @!p1 $0xFFFFFFFF, s11;
	s16 =	smul.u32 @!p1 s17, s16  }
0x22: {  	s14 =	ssub.s32 @!p1 s14, s15;
	s17 =	sshll.u32 @!p1 s18, $0xC;
	s18 =	smul.u32 @!p1 $0x88700, s10  }
0x23: {  	s14 =	sshll.u32 @!p1 s14, $0x4  }
0x24: {  	s17 =	sand.u32 @!p1 $0x1000, s17;
	s15 =	sand.u32 @!p1 $0x3FFFFFE0, s16;
	s16 =	sadd.s32 @!p1 s3, s18  }
0x25: {  	s18 =	simm.s32 @!p1 $0x80;
	s14 =	sadd.s32 @!p1 s14, s16;
	s16 =	simm.s32 @!p1 $0x20  }
0x26: {  	[tilespmem:s17], [sflag:$0x1] =	stream.strided.gather @!p1 [hbm4b:s14+s16], s15, s18, s16, $0x38;
	[tilespmem:$0x4040] =	vst v63  }
0x27: {  	p1 =	seq.s32 s11, $0x0  }
0x28: {  	p2 =	sge.u32 @!p1 s11, s7  }
0x29: {  	p1 =	por p1, p2  }
.Ltmp2:
0x2a: {  	_ = 	snop;
	(pc) =	sbr.rel @p1 .LBB1_5-.Ltmp2, $1  }
0x2b: {  	_ =	sdelay $0x3  }
0x2c: {  	p1 =	sgt.s32 s13, $0x14;
	s14 =	smov.u32 s13  }
0x2d: {  	s15 =	sshra.s32 s13, $0x1F;
	s16 =	smov.u32 s12;
	s17 =	sshra.s32 s12, $0x1F  }
0x2e: {  	s14 =	simm.s32 @!p1 $0x14;
	s15 =	sand.u32 s15, s13;
	p1 =	sgt.s32 s12, $0x87F0  }
0x2f: {  	s27 =	sand.u32 s17, s12;
	s14 =	ssub.s32 s14, s15;
	s16 =	simm.s32 @!p1 $0x87F0  }
0x30: {  	s14 =	sadd.s32 $0xFFFFFFEC, s14;
	s15 =	ssub.s32 s16, s27  }
0x31: {  	p1 =	sgt.s32 s14, $0x0;
	s16 =	sadd.s32 $0xFFFF7810, s15;
	s14 =	sshll.u32 s14, $0x5  }
0x32: {  	s15 =	ssub.s32 $0x8870, s15;
	p2 =	sgt.s32 s16, $0x7F;
	s14 =	ssub.s32 $0x20, s14  }
0x33: {  	s15 =	simm.s32 @p2 $0x0;
	s14 =	simm.s32 @p1 $0x0  }
0x34: {  	s14 =	smul.u32 s15, s14;
	_ =	sdelay $0x1  }
0x35: {  	s15 =	simm.s32 $0x1;
	s14 =	sand.u32 $0x3FFFFFE0, s14  }
0x36: {  	s15 =	simm.s32 @!p0 $0x0;
	_ =	swait.ge [sflag:s4], s14  }
0x37: {  	s28 =	sshll.u32 s15, $0xC;
	s14 =	ssub.s32 $0x0, s14;
	[sflag:s4] =	ssyncset.done $0x0  }
0x38: {  	s18 =	sor.u32 $0x10, s28;
	[sflag:s4] =	ssyncadd.s32 s14  }
0x39: {  	s29 =	smul.u32 $0x4080, s15;
	v1 =	vld [tilespmem:s18+$0x0]  }
0x3a: {  	s30 =	sand.u32 $0x1, s11;
	v0 =	vld [tilespmem:s18+$0xFFFFFFF0]  }
0x3b: {  	s15 =	smul.u32 $0x4080, s30;
	s14 =	sshrl.u32 s29, $0x2  }
0x3c: {  	s16 =	sor.u32 $0x2000, s14  }
0x3d: {  	s31 =	sshrl.u32 s15, $0x2;
	s15 =	sadd.s32 $0x0, s16  }
0x3e: {  	s17 =	simm.s32 $0x4;
	s14 =	sor.u32 $0x2000, s31;
	s18 =	sadd.s32 $0x20, s18;
	[tilespmem:s15+$0x810 ss:$0x81] =	vst.msk $0xffff, v1  }
.LBB1_3:
0x3f: {  	v1 =	vld [tilespmem:s18+$0x0];
	p1 =	sne.s32 s17, $0x1FC;
	[tilespmem:s15+$0x0 ss:$0x81] =	vst.msk $0xffff, v0;
	s15 =	smov.u32 s17;
	s17 =	sadd.s32 $0x4, s17  }
.Ltmp3:
0x40: {  	v0 =	vld [tilespmem:s18+$0xFFFFFFF0];
	(pc) =	sbr.rel @p1 .LBB1_3-.Ltmp3, $4  }
0x41: {  	_ = 	snop  }
0x42: {  	s15 =	sshra.s32 s15, $0x2  }
0x43: {  	s15 =	sadd.s32 s15, s16  }
0x44: {  	s18 =	sadd.s32 $0x20, s18;
	[tilespmem:s15+$0x810 ss:$0x81] =	vst.msk $0xffff, v1  }
0x45: {  	s16 =	sshrl.u32 s13, $0x3  }
0x46: {  	s17 =	sshll.u32 s12, $0x3;
	s16 =	smul.u32 $0x44400, s16  }
0x47: {  	s27 =	sshll.u32 s13, $0x7;
	s17 =	sand.u32 $0xFFFFFC00, s17  }
0x48: {  	s13 =	sand.u32 $0x380, s27;
	s16 =	sadd.s32 s16, s17  }
0x49: {  	s13 =	sor.u32 s13, s16  }
0x4a: {  	s16 =	sshrl.u32 s13, $0x7  }
0x4b: {  	s16 =	smulhi.u32 $0xF00F01, s16;
	_ =	sdelay $0x1  }
0x4c: {  	s28 =	smulhi.u32 $0xAAAAAAB, s16  }
0x4d: {  	s18 =	smul.u32 $0x8880, s16  }
0x4e: {  	s29 =	sand.u32 $0x7F, s12;
	s17 =	smul.u32 $0x18, s28  }
0x4f: {  	s12 =	sor.u32 s29, s13  }
.Ltmp4:
0x50: {  	s12 =	ssub.s32 s12, s18;
	s30 =	ssub.s32 s16, s17;
	(pc) =	sbr.rel .LBB1_5-.Ltmp4, $4  }
0x51: {  	s31 =	sshrl.u32 s12, $0x3;
	s12 =	sand.u32 $0x7, s12;
	s13 =	smul.u32 $0x1110, s30  }
0x52: {  	s16 =	sadd.s32 s5, s31;
	s12 =	sshll.u32 s12, $0x12  }
0x53: {  	[tilespmem:s15+$0x0 ss:$0x81] =	vst.msk $0xffff, v0;
	s12 =	sor.u32 $0x80, s12;
	s13 =	sadd.s32 s13, s16  }
0x54: {  	[hbm4b:s13+s12] =	stream.strided.scatter [tilespmem:s14], [sflag:$0x2], $0x1000, s8, s12, $0x20;
	[tilespmem:$0x4040] =	vst v63  }
.LBB1_6:
0x55: {  	_ =	sfence.sel $0x180000  }
0x56: {  	s2 =	simm.s32 $0x1;
	[bflag:$0x0] =	sbarrier.arrive $0xFFFF  }
0x57: {  	s31 =	simm.s32 $0x2;
	[sflag:s2] =	ssyncpa.u1 $0x1  }
0x58: {  	[sflag:s31] =	ssyncpa.u1 $0x1  }
0x59: {  	p0 =	sne.s32 s0, $0x0;
	_ =	strace $0x90000047  }
0x5a: {  	s0 =	sadd.s32 @!p0 $0x100000, s1;
	[bflag:$0x2] =	sbarrier.arrive $0xFFFF  }
0x5b: {  	[sflag:s0] =	ssyncadd.tile.s32 @!p0 $0x1;
	_ =	shalt  }
.Lfunc_end1:
_tile_overlayer_lowered:
.L_overlay_start_2:
0x5c: {  	(tag) =	ssettag $0x2  }
0x5d: {  	s0 =	rddreg [dreg:$0x0];
	s2 =	stileid.u32  }
0x5e: {  	s1 =	rddreg [dreg:$0x1];
	p0 =	sne.s32 s2, $0x0  }
0x5f: {  	s3 =	rddreg [dreg:$0x2];
	[bflag:$0x3] =	sbarrier.arrive $0xFFFF;
	s2 =	simm.s32 @!p0 $0x1C01  }
0x60: {  	[timem:s3], [sflag:s2] =	dma.local @!p0 [hbm:s0], s1  }
0x61: {  	s0 =	simm.s32 @!p0 $0x1  }
0x62: {  	_ =	swait.ge @!p0 [sflag:s0], s1  }
0x63: {  	s1 =	ssub.s32 @!p0 $0x0, s1;
	[sflag:s0] =	ssyncset.done @!p0 $0x0  }
0x64: {  	[sflag:s0] =	ssyncadd.s32 @!p0 s1  }
0x65: {  	[bflag:$0x3] =	sbarrier.arrive $0xFFFF  }
0x66: {  	_ =	shalt  }

</sc_bundles>
